<compile_context>
chip_gen: v7x
topology: tpu7x:2x2x1
jax: 0.10.2.dev20260603
libtpu: 0.0.44.dev20260713+nightly
codegen_flags: <defaults>
</compile_context>

<pallas_src>
import functools

import jax
import jax.numpy as jnp
from jax import lax
from jax.experimental import pallas as pl
from jax.experimental.pallas import tpu as pltpu
from jax.experimental.pallas import tpu_sc as plsc

_NC = 2
_NS = 16
_NW = _NC * _NS
_LANES = 16

_SC_BATCHES = 2


@functools.lru_cache(maxsize=None)
def _make_sc_add(nb: int, batch: int, seq: int, d: int, pos_rows: int):
    assert seq % _NW == 0
    rows = seq // _NW
    nvec = rows * d // _LANES
    npl = d // _LANES
    mesh = plsc.VectorSubcoreMesh(core_axis_name="c", subcore_axis_name="s")

    def body(x_hbm, pos_hbm, out_hbm, pos_v, buf0, buf1,
             in_sem0, in_sem1, out_sem0, out_sem1):
        wid = lax.axis_index("s") * _NC + lax.axis_index("c")
        base = wid * rows
        bufs = (buf0, buf1)
        in_sems = (in_sem0, in_sem1)
        out_sems = (out_sem0, out_sem1)
        in_cp = [None, None]
        out_cp = [None, None]

        def start_in(b, k):
            in_cp[k] = pltpu.async_copy(
                x_hbm.at[b, pl.ds(base, rows)], bufs[k], in_sems[k])

        start_in(0, 0)
        pltpu.sync_copy(pos_hbm.at[pl.ds(base, rows)], pos_v)

        for b in range(nb):
            k = b & 1
            if b + 1 < nb:
                if b >= 1:
                    out_cp[1 - k].wait()
                start_in(b + 1, 1 - k)
            in_cp[k].wait()
            buf = bufs[k]

            @plsc.parallel_loop(0, nvec, 1, unroll=8)
            def _(i):
                r = i // npl
                sl = pl.ds((i % npl) * _LANES, _LANES)
                plsc.addupdate(buf.at[r, sl], pos_v[r, sl])

            out_cp[k] = pltpu.async_copy(
                buf, out_hbm.at[b, pl.ds(base, rows)], out_sems[k])

        out_cp[0].wait()
        if nb > 1:
            out_cp[1].wait()

    return pl.kernel(
        body,
        out_type=jax.ShapeDtypeStruct((nb, seq, d), jnp.float32),
        mesh=mesh,
        scratch_types=[
            pltpu.VMEM((rows, d), jnp.float32),
            pltpu.VMEM((rows, d), jnp.float32),
            pltpu.VMEM((rows, d), jnp.float32),
            pltpu.SemaphoreType.DMA,
            pltpu.SemaphoreType.DMA,
            pltpu.SemaphoreType.DMA,
            pltpu.SemaphoreType.DMA,
        ],
    )


def _tc_body(x_ref, pos_ref, out_ref):
    out_ref[...] = x_ref[...] + pos_ref[...][None]


@functools.lru_cache(maxsize=None)
def _make_tc_add(b0: int, batch: int, seq: int, d: int, pos_rows: int):
    nb = batch - b0
    bblk = 2 if nb % 2 == 0 else 1
    return pl.pallas_call(
        _tc_body,
        grid=(nb // bblk,),
        in_specs=[
            pl.BlockSpec((bblk, seq, d), lambda i: ((b0 + bblk * i) // bblk, 0, 0) if b0 % bblk == 0 else (b0 + bblk * i, 0, 0)),
            pl.BlockSpec((seq, d), lambda i: (0, 0)),
        ],
        out_specs=pl.BlockSpec((bblk, seq, d), lambda i: ((b0 + bblk * i) // bblk, 0, 0) if b0 % bblk == 0 else (b0 + bblk * i, 0, 0)),
        out_shape=jax.ShapeDtypeStruct((batch, seq, d), jnp.float32),
    )


@functools.lru_cache(maxsize=None)
def _make_merge(nb: int, batch: int, seq: int, d: int):
    def body(tc_ref, sc_ref, out_ref):
        out_ref[...] = sc_ref[...]

    return pl.pallas_call(
        body,
        grid=(nb,),
        in_specs=[
            pl.BlockSpec(memory_space=pl.ANY),
            pl.BlockSpec((1, seq, d), lambda i: (i, 0, 0)),
        ],
        out_specs=pl.BlockSpec((1, seq, d), lambda i: (i, 0, 0)),
        out_shape=jax.ShapeDtypeStruct((batch, seq, d), jnp.float32),
        input_output_aliases={0: 0},
    )


@jax.jit
def kernel(x, pos_embedding):
    batch, g, h, w, d = x.shape
    seq = g * h * w
    x3 = x.reshape(batch, seq, d)
    nsc = min(_SC_BATCHES, batch)
    out_sc = _make_sc_add(nsc, batch, seq, d, pos_embedding.shape[0])(
        x3, pos_embedding)
    if nsc < batch:
        full_tc = _make_tc_add(nsc, batch, seq, d, pos_embedding.shape[0])(
            x3, pos_embedding)
        out = _make_merge(nsc, batch, seq, d)(full_tc, out_sc)
    else:
        out = out_sc
    return out.reshape(x.shape)

# --- scband reference (transcript-rebuilt; emitter-appended) ---
"""Pipeline reference for scband-trainable-positional-encoding-910533066760 (READ-ONLY COPY).

The authoritative reference and input builder live on the scoring server;
editing this copy changes nothing except your own understanding.
"""

import jax, jax.numpy as jnp
import numpy as np


def setup_inputs(seed: int = 0) -> dict:
    key = jax.random.key(seed)
    k1, k2 = jax.random.split(key)
    x = jax.random.normal(k1, (8, 4, 24, 24, 256), dtype=jnp.float32)
    # learned parameter: nn.Embedding(max_len=4096, d_model=256) weight
    pos_embedding = jax.random.normal(k2, (4096, 256), dtype=jnp.float32) * 0.02
    return {"x": x, "pos_embedding": pos_embedding}


def reference(x, pos_embedding):
    batch_size, num_grids, height, width, d_model = x.shape
    seq_len = num_grids * height * width
    positions = jnp.arange(seq_len, dtype=jnp.int32)  # [seq_len]
    # embedding lookup: table[positions]
    pos_enc = jnp.take(pos_embedding, positions, axis=0)  # [seq_len, d_model]
    # expand to batch then reshape to grid layout, matching torch's
    # positions.unsqueeze(0).expand(batch, -1) -> embedding -> view
    pos_enc = jnp.broadcast_to(pos_enc[None, :, :], (batch_size, seq_len, d_model))
    pos_enc = pos_enc.reshape(batch_size, num_grids, height, width, d_model)
    return x + pos_enc

if __name__ == "__main__":
    import jax
    _d = setup_inputs()
    print(jax.jit(kernel)(*tuple(_d.values())))

</pallas_src>

<mosaic_0001>
#map = affine_map<(d0, d1) -> (0, 0, 0)>
#map1 = affine_map<(d0, d1) -> (0, 0)>
module attributes {stable_mosaic.version = 14 : i64} {
  func.func @body(%arg0: i32, %arg1: i32, %arg2: memref<8x2304x256xf32, #tpu.memory_space<hbm>>, %arg3: memref<4096x256xf32, #tpu.memory_space<hbm>>, %arg4: memref<2x2304x256xf32, #tpu.memory_space<hbm>>, %arg5: memref<72x256xf32, #tpu.memory_space<vmem>>, %arg6: memref<72x256xf32, #tpu.memory_space<vmem>>, %arg7: memref<72x256xf32, #tpu.memory_space<vmem>>, %arg8: memref<!tpu.dma_semaphore, #tpu.memory_space<semaphore_mem>>, %arg9: memref<!tpu.dma_semaphore, #tpu.memory_space<semaphore_mem>>, %arg10: memref<!tpu.dma_semaphore, #tpu.memory_space<semaphore_mem>>, %arg11: memref<!tpu.dma_semaphore, #tpu.memory_space<semaphore_mem>>) attributes {dimension_semantics = [#tpu.dimension_semantics<core_parallel>, #tpu.dimension_semantics<subcore_parallel>], iteration_bounds = array<i64: 2, 16>, scalar_prefetch = 0 : i64, scratch_operands = 7 : i64, tpu.core_type = #tpu.core_type<sc_vector_subcore>, window_params = [{transform_indices = #map}, {transform_indices = #map1}, {transform_indices = #map}]} {
    %mul3A = arith.constant 2 : i32
    %mul3A_0 = arith.muli %arg1, %mul3A : i32
    %add3A = arith.addi %mul3A_0, %arg0 : i32
    %mul3A_1 = arith.constant 72 : i32
    %mul3A_2 = arith.muli %add3A, %mul3A_1 : i32
    %dma_start3A = arith.constant 0 : i32
    %dma_start3A_3 = arith.constant 0 : i32
    %dma_start3A_4 = tpu.memref_slice %arg2[%dma_start3A, %mul3A_2, %dma_start3A_3] : memref<8x2304x256xf32, #tpu.memory_space<hbm>> -> memref<1x72x256xf32, #tpu.memory_space<hbm>>
    %dma_start3A_5 = tpu.memref_squeeze %dma_start3A_4 : memref<1x72x256xf32, #tpu.memory_space<hbm>> -> memref<72x256xf32, #tpu.memory_space<hbm>>
    %dma_start3A_6 = arith.constant 0 : i32
    %dma_start3A_7 = tpu.memref_slice %arg2[%dma_start3A, %mul3A_2, %dma_start3A_6] : memref<8x2304x256xf32, #tpu.memory_space<hbm>> -> memref<1x72x256xf32, #tpu.memory_space<hbm>>
    %dma_start3A_8 = tpu.memref_squeeze %dma_start3A_7 : memref<1x72x256xf32, #tpu.memory_space<hbm>> -> memref<72x256xf32, #tpu.memory_space<hbm>>
    tpu.enqueue_dma source(%dma_start3A_8 : memref<72x256xf32, #tpu.memory_space<hbm>>) target(%arg6 : memref<72x256xf32, #tpu.memory_space<vmem>>) target_semaphore(%arg8 : memref<!tpu.dma_semaphore, #tpu.memory_space<semaphore_mem>>)
    "tpu.region"() ({
      %run_scoped3A = tpu.sem_alloc : memref<!tpu.dma_semaphore, #tpu.memory_space<semaphore_mem>>
      %dma_start3A_62 = arith.constant 0 : i32
      %dma_start3A_63 = tpu.memref_slice %arg3[%mul3A_2, %dma_start3A_62] : memref<4096x256xf32, #tpu.memory_space<hbm>> -> memref<72x256xf32, #tpu.memory_space<hbm>>
      %dma_start3A_64 = arith.constant 0 : i32
      %dma_start3A_65 = tpu.memref_slice %arg3[%mul3A_2, %dma_start3A_64] : memref<4096x256xf32, #tpu.memory_space<hbm>> -> memref<72x256xf32, #tpu.memory_space<hbm>>
      tpu.enqueue_dma source(%dma_start3A_65 : memref<72x256xf32, #tpu.memory_space<hbm>>) target(%arg5 : memref<72x256xf32, #tpu.memory_space<vmem>>) target_semaphore(%run_scoped3A : memref<!tpu.dma_semaphore, #tpu.memory_space<semaphore_mem>>)
      %dma_wait3A_66 = arith.constant 0 : i32
      %dma_wait3A_67 = tpu.memref_slice %arg3[%mul3A_2, %dma_wait3A_66] : memref<4096x256xf32, #tpu.memory_space<hbm>> -> memref<72x256xf32, #tpu.memory_space<hbm>>
      %dma_wait3A_68 = arith.constant 0 : i32
      %dma_wait3A_69 = tpu.memref_slice %arg3[%mul3A_2, %dma_wait3A_68] : memref<4096x256xf32, #tpu.memory_space<hbm>> -> memref<72x256xf32, #tpu.memory_space<hbm>>
      tpu.wait_dma2 semaphore(%run_scoped3A : memref<!tpu.dma_semaphore, #tpu.memory_space<semaphore_mem>>) src(%dma_wait3A_69 : memref<72x256xf32, #tpu.memory_space<hbm>>) dst(%arg5 : memref<72x256xf32, #tpu.memory_space<vmem>>)
      tpu.yield
    }) : () -> ()
    %dma_start3A_9 = arith.constant 1 : i32
    %dma_start3A_10 = arith.constant 0 : i32
    %dma_start3A_11 = tpu.memref_slice %arg2[%dma_start3A_9, %mul3A_2, %dma_start3A_10] : memref<8x2304x256xf32, #tpu.memory_space<hbm>> -> memref<1x72x256xf32, #tpu.memory_space<hbm>>
    %dma_start3A_12 = tpu.memref_squeeze %dma_start3A_11 : memref<1x72x256xf32, #tpu.memory_space<hbm>> -> memref<72x256xf32, #tpu.memory_space<hbm>>
    %dma_start3A_13 = arith.constant 0 : i32
    %dma_start3A_14 = tpu.memref_slice %arg2[%dma_start3A_9, %mul3A_2, %dma_start3A_13] : memref<8x2304x256xf32, #tpu.memory_space<hbm>> -> memref<1x72x256xf32, #tpu.memory_space<hbm>>
    %dma_start3A_15 = tpu.memref_squeeze %dma_start3A_14 : memref<1x72x256xf32, #tpu.memory_space<hbm>> -> memref<72x256xf32, #tpu.memory_space<hbm>>
    tpu.enqueue_dma source(%dma_start3A_15 : memref<72x256xf32, #tpu.memory_space<hbm>>) target(%arg7 : memref<72x256xf32, #tpu.memory_space<vmem>>) target_semaphore(%arg9 : memref<!tpu.dma_semaphore, #tpu.memory_space<semaphore_mem>>)
    %dma_wait3A = arith.constant 0 : i32
    %dma_wait3A_16 = arith.constant 0 : i32
    %dma_wait3A_17 = tpu.memref_slice %arg2[%dma_wait3A, %mul3A_2, %dma_wait3A_16] : memref<8x2304x256xf32, #tpu.memory_space<hbm>> -> memref<1x72x256xf32, #tpu.memory_space<hbm>>
    %dma_wait3A_18 = tpu.memref_squeeze %dma_wait3A_17 : memref<1x72x256xf32, #tpu.memory_space<hbm>> -> memref<72x256xf32, #tpu.memory_space<hbm>>
    %dma_wait3A_19 = arith.constant 0 : i32
    %dma_wait3A_20 = tpu.memref_slice %arg2[%dma_wait3A, %mul3A_2, %dma_wait3A_19] : memref<8x2304x256xf32, #tpu.memory_space<hbm>> -> memref<1x72x256xf32, #tpu.memory_space<hbm>>
    %dma_wait3A_21 = tpu.memref_squeeze %dma_wait3A_20 : memref<1x72x256xf32, #tpu.memory_space<hbm>> -> memref<72x256xf32, #tpu.memory_space<hbm>>
    tpu.wait_dma2 semaphore(%arg8 : memref<!tpu.dma_semaphore, #tpu.memory_space<semaphore_mem>>) src(%dma_wait3A_21 : memref<72x256xf32, #tpu.memory_space<hbm>>) dst(%arg6 : memref<72x256xf32, #tpu.memory_space<vmem>>)
    %parallel_loop3A = arith.constant 0 : i32
    %parallel_loop3A_22 = arith.constant 1152 : i32
    %parallel_loop3A_23 = arith.constant 1 : i32
    scf.for %parallel_loop3A_62 = %parallel_loop3A to %parallel_loop3A_22 step %parallel_loop3A_23  : i32 {
      %parallel_loop3A_63 = arith.constant 16 : i32
      %parallel_loop3A_64 = arith.divsi %parallel_loop3A_62, %parallel_loop3A_63 : i32
      %parallel_loop3A_65 = arith.constant 0 : i32
      %parallel_loop3A_66 = arith.cmpi sgt, %parallel_loop3A_62, %parallel_loop3A_65 : i32
      %parallel_loop3A_67 = arith.extui %parallel_loop3A_66 : i1 to i32
      %parallel_loop3A_68 = arith.constant 0 : i32
      %parallel_loop3A_69 = arith.cmpi slt, %parallel_loop3A_62, %parallel_loop3A_68 : i32
      %parallel_loop3A_70 = arith.extui %parallel_loop3A_69 : i1 to i32
      %parallel_loop3A_71 = arith.subi %parallel_loop3A_67, %parallel_loop3A_70 : i32
      %parallel_loop3A_72 = arith.constant 0 : i32
      %parallel_loop3A_73 = arith.cmpi sgt, %parallel_loop3A_63, %parallel_loop3A_72 : i32
      %parallel_loop3A_74 = arith.extui %parallel_loop3A_73 : i1 to i32
      %parallel_loop3A_75 = arith.constant 0 : i32
      %parallel_loop3A_76 = arith.cmpi slt, %parallel_loop3A_63, %parallel_loop3A_75 : i32
      %parallel_loop3A_77 = arith.extui %parallel_loop3A_76 : i1 to i32
      %parallel_loop3A_78 = arith.subi %parallel_loop3A_74, %parallel_loop3A_77 : i32
      %parallel_loop3A_79 = arith.cmpi ne, %parallel_loop3A_71, %parallel_loop3A_78 : i32
      %parallel_loop3A_80 = arith.remsi %parallel_loop3A_62, %parallel_loop3A_63 : i32
      %parallel_loop3A_81 = arith.constant 0 : i32
      %parallel_loop3A_82 = arith.cmpi ne, %parallel_loop3A_80, %parallel_loop3A_81 : i32
      %parallel_loop3A_83 = arith.andi %parallel_loop3A_79, %parallel_loop3A_82 : i1
      %parallel_loop3A_84 = arith.constant 1 : i32
      %parallel_loop3A_85 = arith.subi %parallel_loop3A_64, %parallel_loop3A_84 : i32
      %parallel_loop3A_86 = arith.select %parallel_loop3A_83, %parallel_loop3A_85, %parallel_loop3A_64 : i32
      %parallel_loop3A_87 = arith.constant 16 : i32
      %parallel_loop3A_88 = arith.constant 0 : i32
      %parallel_loop3A_89 = arith.cmpi eq, %parallel_loop3A_87, %parallel_loop3A_88 : i32
      %parallel_loop3A_90 = arith.constant 1 : i32
      %parallel_loop3A_91 = arith.select %parallel_loop3A_89, %parallel_loop3A_90, %parallel_loop3A_87 : i32
      %parallel_loop3A_92 = arith.remsi %parallel_loop3A_62, %parallel_loop3A_91 : i32
      %parallel_loop3A_93 = arith.constant 0 : i32
      %parallel_loop3A_94 = arith.cmpi ne, %parallel_loop3A_92, %parallel_loop3A_93 : i32
      %parallel_loop3A_95 = arith.constant 0 : i32
      %parallel_loop3A_96 = arith.cmpi slt, %parallel_loop3A_92, %parallel_loop3A_95 : i32
      %parallel_loop3A_97 = arith.constant 0 : i32
      %parallel_loop3A_98 = arith.cmpi slt, %parallel_loop3A_91, %parallel_loop3A_97 : i32
      %parallel_loop3A_99 = arith.xori %parallel_loop3A_96, %parallel_loop3A_98 : i1
      %parallel_loop3A_100 = arith.andi %parallel_loop3A_99, %parallel_loop3A_94 : i1
      %parallel_loop3A_101 = arith.addi %parallel_loop3A_92, %parallel_loop3A_91 : i32
      %parallel_loop3A_102 = arith.select %parallel_loop3A_100, %parallel_loop3A_101, %parallel_loop3A_92 : i32
      %parallel_loop3A_103 = arith.constant 16 : i32
      %parallel_loop3A_104 = arith.muli %parallel_loop3A_102, %parallel_loop3A_103 : i32
      %parallel_loop3A_105 = arith.index_cast %parallel_loop3A_86 : i32 to index
      %parallel_loop3A_106 = arith.index_cast %parallel_loop3A_104 : i32 to index
      %parallel_loop3A_107 = tpu.vector_load %arg5[%parallel_loop3A_105, %parallel_loop3A_106] {strides = array<i32>} : memref<72x256xf32, #tpu.memory_space<vmem>>, vector<1x16xf32>,
      %parallel_loop3A_108 = vector.shape_cast %parallel_loop3A_107 : vector<1x16xf32> to vector<16xf32>
      %parallel_loop3A_109 = arith.index_cast %parallel_loop3A_86 : i32 to index
      %parallel_loop3A_110 = arith.index_cast %parallel_loop3A_104 : i32 to index
      %parallel_loop3A_111 = tpu.vector_load %arg6[%parallel_loop3A_109, %parallel_loop3A_110] {strides = array<i32>} : memref<72x256xf32, #tpu.memory_space<vmem>>, vector<1x16xf32>,
      %parallel_loop3A_112 = vector.shape_cast %parallel_loop3A_111 : vector<1x16xf32> to vector<16xf32>
      %parallel_loop3A_113 = vector.shape_cast %parallel_loop3A_108 : vector<16xf32> to vector<1x16xf32>
      tpu.vector_store %arg6[%parallel_loop3A_109, %parallel_loop3A_110], %parallel_loop3A_113 {add = true, strides = array<i32>} : memref<72x256xf32, #tpu.memory_space<vmem>>, vector<1x16xf32>,
    } {sc.loop_unroll_factor = 8 : i64, sc.parallel_access}
    %dma_start3A_24 = arith.constant 0 : i32
    %dma_start3A_25 = arith.constant 0 : i32
    %dma_start3A_26 = tpu.memref_slice %arg4[%dma_start3A_24, %mul3A_2, %dma_start3A_25] : memref<2x2304x256xf32, #tpu.memory_space<hbm>> -> memref<1x72x256xf32, #tpu.memory_space<hbm>>
    %dma_start3A_27 = tpu.memref_squeeze %dma_start3A_26 : memref<1x72x256xf32, #tpu.memory_space<hbm>> -> memref<72x256xf32, #tpu.memory_space<hbm>>
    %dma_start3A_28 = arith.constant 0 : i32
    %dma_start3A_29 = tpu.memref_slice %arg4[%dma_start3A_24, %mul3A_2, %dma_start3A_28] : memref<2x2304x256xf32, #tpu.memory_space<hbm>> -> memref<1x72x256xf32, #tpu.memory_space<hbm>>
    %dma_start3A_30 = tpu.memref_squeeze %dma_start3A_29 : memref<1x72x256xf32, #tpu.memory_space<hbm>> -> memref<72x256xf32, #tpu.memory_space<hbm>>
    tpu.enqueue_dma source(%arg6 : memref<72x256xf32, #tpu.memory_space<vmem>>) target(%dma_start3A_30 : memref<72x256xf32, #tpu.memory_space<hbm>>) target_semaphore(%arg10 : memref<!tpu.dma_semaphore, #tpu.memory_space<semaphore_mem>>)
    %dma_wait3A_31 = arith.constant 1 : i32
    %dma_wait3A_32 = arith.constant 0 : i32
    %dma_wait3A_33 = tpu.memref_slice %arg2[%dma_wait3A_31, %mul3A_2, %dma_wait3A_32] : memref<8x2304x256xf32, #tpu.memory_space<hbm>> -> memref<1x72x256xf32, #tpu.memory_space<hbm>>
    %dma_wait3A_34 = tpu.memref_squeeze %dma_wait3A_33 : memref<1x72x256xf32, #tpu.memory_space<hbm>> -> memref<72x256xf32, #tpu.memory_space<hbm>>
    %dma_wait3A_35 = arith.constant 0 : i32
    %dma_wait3A_36 = tpu.memref_slice %arg2[%dma_wait3A_31, %mul3A_2, %dma_wait3A_35] : memref<8x2304x256xf32, #tpu.memory_space<hbm>> -> memref<1x72x256xf32, #tpu.memory_space<hbm>>
    %dma_wait3A_37 = tpu.memref_squeeze %dma_wait3A_36 : memref<1x72x256xf32, #tpu.memory_space<hbm>> -> memref<72x256xf32, #tpu.memory_space<hbm>>
    tpu.wait_dma2 semaphore(%arg9 : memref<!tpu.dma_semaphore, #tpu.memory_space<semaphore_mem>>) src(%dma_wait3A_37 : memref<72x256xf32, #tpu.memory_space<hbm>>) dst(%arg7 : memref<72x256xf32, #tpu.memory_space<vmem>>)
    %parallel_loop3A_38 = arith.constant 0 : i32
    %parallel_loop3A_39 = arith.constant 1152 : i32
    %parallel_loop3A_40 = arith.constant 1 : i32
    scf.for %parallel_loop3A_62 = %parallel_loop3A_38 to %parallel_loop3A_39 step %parallel_loop3A_40  : i32 {
      %parallel_loop3A_63 = arith.constant 16 : i32
      %parallel_loop3A_64 = arith.divsi %parallel_loop3A_62, %parallel_loop3A_63 : i32
      %parallel_loop3A_65 = arith.constant 0 : i32
      %parallel_loop3A_66 = arith.cmpi sgt, %parallel_loop3A_62, %parallel_loop3A_65 : i32
      %parallel_loop3A_67 = arith.extui %parallel_loop3A_66 : i1 to i32
      %parallel_loop3A_68 = arith.constant 0 : i32
      %parallel_loop3A_69 = arith.cmpi slt, %parallel_loop3A_62, %parallel_loop3A_68 : i32
      %parallel_loop3A_70 = arith.extui %parallel_loop3A_69 : i1 to i32
      %parallel_loop3A_71 = arith.subi %parallel_loop3A_67, %parallel_loop3A_70 : i32
      %parallel_loop3A_72 = arith.constant 0 : i32
      %parallel_loop3A_73 = arith.cmpi sgt, %parallel_loop3A_63, %parallel_loop3A_72 : i32
      %parallel_loop3A_74 = arith.extui %parallel_loop3A_73 : i1 to i32
      %parallel_loop3A_75 = arith.constant 0 : i32
      %parallel_loop3A_76 = arith.cmpi slt, %parallel_loop3A_63, %parallel_loop3A_75 : i32
      %parallel_loop3A_77 = arith.extui %parallel_loop3A_76 : i1 to i32
      %parallel_loop3A_78 = arith.subi %parallel_loop3A_74, %parallel_loop3A_77 : i32
      %parallel_loop3A_79 = arith.cmpi ne, %parallel_loop3A_71, %parallel_loop3A_78 : i32
      %parallel_loop3A_80 = arith.remsi %parallel_loop3A_62, %parallel_loop3A_63 : i32
      %parallel_loop3A_81 = arith.constant 0 : i32
      %parallel_loop3A_82 = arith.cmpi ne, %parallel_loop3A_80, %parallel_loop3A_81 : i32
      %parallel_loop3A_83 = arith.andi %parallel_loop3A_79, %parallel_loop3A_82 : i1
      %parallel_loop3A_84 = arith.constant 1 : i32
      %parallel_loop3A_85 = arith.subi %parallel_loop3A_64, %parallel_loop3A_84 : i32
      %parallel_loop3A_86 = arith.select %parallel_loop3A_83, %parallel_loop3A_85, %parallel_loop3A_64 : i32
      %parallel_loop3A_87 = arith.constant 16 : i32
      %parallel_loop3A_88 = arith.constant 0 : i32
      %parallel_loop3A_89 = arith.cmpi eq, %parallel_loop3A_87, %parallel_loop3A_88 : i32
      %parallel_loop3A_90 = arith.constant 1 : i32
      %parallel_loop3A_91 = arith.select %parallel_loop3A_89, %parallel_loop3A_90, %parallel_loop3A_87 : i32
      %parallel_loop3A_92 = arith.remsi %parallel_loop3A_62, %parallel_loop3A_91 : i32
      %parallel_loop3A_93 = arith.constant 0 : i32
      %parallel_loop3A_94 = arith.cmpi ne, %parallel_loop3A_92, %parallel_loop3A_93 : i32
      %parallel_loop3A_95 = arith.constant 0 : i32
      %parallel_loop3A_96 = arith.cmpi slt, %parallel_loop3A_92, %parallel_loop3A_95 : i32
      %parallel_loop3A_97 = arith.constant 0 : i32
      %parallel_loop3A_98 = arith.cmpi slt, %parallel_loop3A_91, %parallel_loop3A_97 : i32
      %parallel_loop3A_99 = arith.xori %parallel_loop3A_96, %parallel_loop3A_98 : i1
      %parallel_loop3A_100 = arith.andi %parallel_loop3A_99, %parallel_loop3A_94 : i1
      %parallel_loop3A_101 = arith.addi %parallel_loop3A_92, %parallel_loop3A_91 : i32
      %parallel_loop3A_102 = arith.select %parallel_loop3A_100, %parallel_loop3A_101, %parallel_loop3A_92 : i32
      %parallel_loop3A_103 = arith.constant 16 : i32
      %parallel_loop3A_104 = arith.muli %parallel_loop3A_102, %parallel_loop3A_103 : i32
      %parallel_loop3A_105 = arith.index_cast %parallel_loop3A_86 : i32 to index
      %parallel_loop3A_106 = arith.index_cast %parallel_loop3A_104 : i32 to index
      %parallel_loop3A_107 = tpu.vector_load %arg5[%parallel_loop3A_105, %parallel_loop3A_106] {strides = array<i32>} : memref<72x256xf32, #tpu.memory_space<vmem>>, vector<1x16xf32>,
      %parallel_loop3A_108 = vector.shape_cast %parallel_loop3A_107 : vector<1x16xf32> to vector<16xf32>
      %parallel_loop3A_109 = arith.index_cast %parallel_loop3A_86 : i32 to index
      %parallel_loop3A_110 = arith.index_cast %parallel_loop3A_104 : i32 to index
      %parallel_loop3A_111 = tpu.vector_load %arg7[%parallel_loop3A_109, %parallel_loop3A_110] {strides = array<i32>} : memref<72x256xf32, #tpu.memory_space<vmem>>, vector<1x16xf32>,
      %parallel_loop3A_112 = vector.shape_cast %parallel_loop3A_111 : vector<1x16xf32> to vector<16xf32>
      %parallel_loop3A_113 = vector.shape_cast %parallel_loop3A_108 : vector<16xf32> to vector<1x16xf32>
      tpu.vector_store %arg7[%parallel_loop3A_109, %parallel_loop3A_110], %parallel_loop3A_113 {add = true, strides = array<i32>} : memref<72x256xf32, #tpu.memory_space<vmem>>, vector<1x16xf32>,
    } {sc.loop_unroll_factor = 8 : i64, sc.parallel_access}
    %dma_start3A_41 = arith.constant 1 : i32
    %dma_start3A_42 = arith.constant 0 : i32
    %dma_start3A_43 = tpu.memref_slice %arg4[%dma_start3A_41, %mul3A_2, %dma_start3A_42] : memref<2x2304x256xf32, #tpu.memory_space<hbm>> -> memref<1x72x256xf32, #tpu.memory_space<hbm>>
    %dma_start3A_44 = tpu.memref_squeeze %dma_start3A_43 : memref<1x72x256xf32, #tpu.memory_space<hbm>> -> memref<72x256xf32, #tpu.memory_space<hbm>>
    %dma_start3A_45 = arith.constant 0 : i32
    %dma_start3A_46 = tpu.memref_slice %arg4[%dma_start3A_41, %mul3A_2, %dma_start3A_45] : memref<2x2304x256xf32, #tpu.memory_space<hbm>> -> memref<1x72x256xf32, #tpu.memory_space<hbm>>
    %dma_start3A_47 = tpu.memref_squeeze %dma_start3A_46 : memref<1x72x256xf32, #tpu.memory_space<hbm>> -> memref<72x256xf32, #tpu.memory_space<hbm>>
    tpu.enqueue_dma source(%arg7 : memref<72x256xf32, #tpu.memory_space<vmem>>) target(%dma_start3A_47 : memref<72x256xf32, #tpu.memory_space<hbm>>) target_semaphore(%arg11 : memref<!tpu.dma_semaphore, #tpu.memory_space<semaphore_mem>>)
    %dma_wait3A_48 = arith.constant 0 : i32
    %dma_wait3A_49 = arith.constant 0 : i32
    %dma_wait3A_50 = tpu.memref_slice %arg4[%dma_wait3A_48, %mul3A_2, %dma_wait3A_49] : memref<2x2304x256xf32, #tpu.memory_space<hbm>> -> memref<1x72x256xf32, #tpu.memory_space<hbm>>
    %dma_wait3A_51 = tpu.memref_squeeze %dma_wait3A_50 : memref<1x72x256xf32, #tpu.memory_space<hbm>> -> memref<72x256xf32, #tpu.memory_space<hbm>>
    %dma_wait3A_52 = arith.constant 0 : i32
    %dma_wait3A_53 = tpu.memref_slice %arg4[%dma_wait3A_48, %mul3A_2, %dma_wait3A_52] : memref<2x2304x256xf32, #tpu.memory_space<hbm>> -> memref<1x72x256xf32, #tpu.memory_space<hbm>>
    %dma_wait3A_54 = tpu.memref_squeeze %dma_wait3A_53 : memref<1x72x256xf32, #tpu.memory_space<hbm>> -> memref<72x256xf32, #tpu.memory_space<hbm>>
    tpu.wait_dma2 semaphore(%arg10 : memref<!tpu.dma_semaphore, #tpu.memory_space<semaphore_mem>>) src(%arg6 : memref<72x256xf32, #tpu.memory_space<vmem>>) dst(%dma_wait3A_54 : memref<72x256xf32, #tpu.memory_space<hbm>>)
    %dma_wait3A_55 = arith.constant 1 : i32
    %dma_wait3A_56 = arith.constant 0 : i32
    %dma_wait3A_57 = tpu.memref_slice %arg4[%dma_wait3A_55, %mul3A_2, %dma_wait3A_56] : memref<2x2304x256xf32, #tpu.memory_space<hbm>> -> memref<1x72x256xf32, #tpu.memory_space<hbm>>
    %dma_wait3A_58 = tpu.memref_squeeze %dma_wait3A_57 : memref<1x72x256xf32, #tpu.memory_space<hbm>> -> memref<72x256xf32, #tpu.memory_space<hbm>>
    %dma_wait3A_59 = arith.constant 0 : i32
    %dma_wait3A_60 = tpu.memref_slice %arg4[%dma_wait3A_55, %mul3A_2, %dma_wait3A_59] : memref<2x2304x256xf32, #tpu.memory_space<hbm>> -> memref<1x72x256xf32, #tpu.memory_space<hbm>>
    %dma_wait3A_61 = tpu.memref_squeeze %dma_wait3A_60 : memref<1x72x256xf32, #tpu.memory_space<hbm>> -> memref<72x256xf32, #tpu.memory_space<hbm>>
    tpu.wait_dma2 semaphore(%arg11 : memref<!tpu.dma_semaphore, #tpu.memory_space<semaphore_mem>>) src(%arg7 : memref<72x256xf32, #tpu.memory_space<vmem>>) dst(%dma_wait3A_61 : memref<72x256xf32, #tpu.memory_space<hbm>>)
    return
  }
}

module attributes {stable_mosaic.version = 14 : i64} {
  func.func @_tc_body(%arg0: i32, %arg1: memref<2x2304x256xf32, #tpu.memory_space<vmem>>, %arg2: memref<2304x256xf32, #tpu.memory_space<vmem>>, %arg3: memref<2x2304x256xf32, #tpu.memory_space<vmem>>) attributes {dimension_semantics = [#tpu.dimension_semantics<arbitrary>], iteration_bounds = array<i64: 3>, scalar_prefetch = 0 : i64, scratch_operands = 0 : i64, tpu.core_type = #tpu.core_type<tc>, window_params = [{transform_indices = @transform_0, window_bounds = array<i64: 2, 2304, 256>}, {transform_indices = @transform_1, window_bounds = array<i64: 2304, 256>}, {transform_indices = @transform_2, window_bounds = array<i64: 2, 2304, 256>}]} {
    %get3A = arith.constant 0 : index
    %get3A_0 = arith.constant 0 : index
    %get3A_1 = arith.constant 0 : index
    %get3A_2 = vector.load %arg1[%get3A, %get3A_0, %get3A_1] : memref<2x2304x256xf32, #tpu.memory_space<vmem>>, vector<2x2304x256xf32>
    %get3A_3 = arith.constant 0 : index
    %get3A_4 = arith.constant 0 : index
    %get3A_5 = vector.load %arg2[%get3A_3, %get3A_4] : memref<2304x256xf32, #tpu.memory_space<vmem>>, vector<2304x256xf32>
    %broadcast_in_dim3A = vector.shape_cast %get3A_5 : vector<2304x256xf32> to vector<1x2304x256xf32>
    %add3A = vector.broadcast %broadcast_in_dim3A : vector<1x2304x256xf32> to vector<2x2304x256xf32>
    %add3A_6 = arith.addf %get3A_2, %add3A : vector<2x2304x256xf32>
    %swap3A = arith.constant 0 : index
    %swap3A_7 = arith.constant 0 : index
    %swap3A_8 = arith.constant 0 : index
    %swap3A_9 = vector.load %arg3[%swap3A, %swap3A_7, %swap3A_8] : memref<2x2304x256xf32, #tpu.memory_space<vmem>>, vector<2x2304x256xf32>
    tpu.vector_store %arg3[%swap3A, %swap3A_7, %swap3A_8], %add3A_6 {strides = array<i32>} : memref<2x2304x256xf32, #tpu.memory_space<vmem>>, vector<2x2304x256xf32>,
    return
  }
  func.func @transform_0(%arg0: i32) -> (i32, i32, i32) {
    %mul3A = arith.constant 2 : i32
    %mul3A_0 = arith.muli %mul3A, %arg0 : i32
    %add3A = arith.constant 2 : i32
    %add3A_1 = arith.addi %add3A, %mul3A_0 : i32
    %jit3A = arith.constant 2 : i32
    %div3A = arith.divsi %add3A_1, %jit3A : i32
    %sign3A = arith.constant 0 : i32
    %sign3A_2 = arith.cmpi sgt, %add3A_1, %sign3A : i32
    %sign3A_3 = arith.extui %sign3A_2 : i1 to i32
    %sign3A_4 = arith.constant 0 : i32
    %sign3A_5 = arith.cmpi slt, %add3A_1, %sign3A_4 : i32
    %sign3A_6 = arith.extui %sign3A_5 : i1 to i32
    %sign3A_7 = arith.subi %sign3A_3, %sign3A_6 : i32
    %sign3A_8 = arith.constant 0 : i32
    %sign3A_9 = arith.cmpi sgt, %jit3A, %sign3A_8 : i32
    %sign3A_10 = arith.extui %sign3A_9 : i1 to i32
    %sign3A_11 = arith.constant 0 : i32
    %sign3A_12 = arith.cmpi slt, %jit3A, %sign3A_11 : i32
    %sign3A_13 = arith.extui %sign3A_12 : i1 to i32
    %sign3A_14 = arith.subi %sign3A_10, %sign3A_13 : i32
    %ne3A = arith.cmpi ne, %sign3A_7, %sign3A_14 : i32
    %rem3A = arith.remsi %add3A_1, %jit3A : i32
    %ne3A_15 = arith.constant 0 : i32
    %ne3A_16 = arith.cmpi ne, %rem3A, %ne3A_15 : i32
    %and3A = arith.andi %ne3A, %ne3A_16 : i1
    %sub3A = arith.constant 1 : i32
    %sub3A_17 = arith.subi %div3A, %sub3A : i32
    %select_n3A = arith.select %and3A, %sub3A_17, %div3A : i32
    %c0_i32 = arith.constant 0 : i32
    %c0_i32_18 = arith.constant 0 : i32
    %c0_i32_19 = arith.constant 0 : i32
    return %select_n3A, %c0_i32, %c0_i32_18 : i32, i32, i32
  }
  func.func @transform_1(%arg0: i32) -> (i32, i32) {
    %c0_i32 = arith.constant 0 : i32
    %c0_i32_0 = arith.constant 0 : i32
    %c0_i32_1 = arith.constant 0 : i32
    return %c0_i32, %c0_i32_0 : i32, i32
  }
  func.func @transform_2(%arg0: i32) -> (i32, i32, i32) {
    %mul3A = arith.constant 2 : i32
    %mul3A_0 = arith.muli %mul3A, %arg0 : i32
    %add3A = arith.constant 2 : i32
    %add3A_1 = arith.addi %add3A, %mul3A_0 : i32
    %jit3A = arith.constant 2 : i32
    %div3A = arith.divsi %add3A_1, %jit3A : i32
    %sign3A = arith.constant 0 : i32
    %sign3A_2 = arith.cmpi sgt, %add3A_1, %sign3A : i32
    %sign3A_3 = arith.extui %sign3A_2 : i1 to i32
    %sign3A_4 = arith.constant 0 : i32
    %sign3A_5 = arith.cmpi slt, %add3A_1, %sign3A_4 : i32
    %sign3A_6 = arith.extui %sign3A_5 : i1 to i32
    %sign3A_7 = arith.subi %sign3A_3, %sign3A_6 : i32
    %sign3A_8 = arith.constant 0 : i32
    %sign3A_9 = arith.cmpi sgt, %jit3A, %sign3A_8 : i32
    %sign3A_10 = arith.extui %sign3A_9 : i1 to i32
    %sign3A_11 = arith.constant 0 : i32
    %sign3A_12 = arith.cmpi slt, %jit3A, %sign3A_11 : i32
    %sign3A_13 = arith.extui %sign3A_12 : i1 to i32
    %sign3A_14 = arith.subi %sign3A_10, %sign3A_13 : i32
    %ne3A = arith.cmpi ne, %sign3A_7, %sign3A_14 : i32
    %rem3A = arith.remsi %add3A_1, %jit3A : i32
    %ne3A_15 = arith.constant 0 : i32
    %ne3A_16 = arith.cmpi ne, %rem3A, %ne3A_15 : i32
    %and3A = arith.andi %ne3A, %ne3A_16 : i1
    %sub3A = arith.constant 1 : i32
    %sub3A_17 = arith.subi %div3A, %sub3A : i32
    %select_n3A = arith.select %and3A, %sub3A_17, %div3A : i32
    %c0_i32 = arith.constant 0 : i32
    %c0_i32_18 = arith.constant 0 : i32
    %c0_i32_19 = arith.constant 0 : i32
    return %select_n3A, %c0_i32, %c0_i32_18 : i32, i32, i32
  }
}

module attributes {stable_mosaic.version = 14 : i64} {
  func.func @body(%arg0: i32, %arg1: memref<8x2304x256xf32, #tpu.memory_space<any>>, %arg2: memref<1x2304x256xf32, #tpu.memory_space<vmem>>, %arg3: memref<1x2304x256xf32, #tpu.memory_space<vmem>>) attributes {dimension_semantics = [#tpu.dimension_semantics<arbitrary>], iteration_bounds = array<i64: 2>, scalar_prefetch = 0 : i64, scratch_operands = 0 : i64, tpu.core_type = #tpu.core_type<tc>, window_params = [{}, {transform_indices = @transform_1, window_bounds = array<i64: 1, 2304, 256>}, {transform_indices = @transform_2, window_bounds = array<i64: 1, 2304, 256>}]} {
    %get3A = arith.constant 0 : index
    %get3A_0 = arith.constant 0 : index
    %get3A_1 = arith.constant 0 : index
    %get3A_2 = vector.load %arg2[%get3A, %get3A_0, %get3A_1] : memref<1x2304x256xf32, #tpu.memory_space<vmem>>, vector<1x2304x256xf32>
    %swap3A = arith.constant 0 : index
    %swap3A_3 = arith.constant 0 : index
    %swap3A_4 = arith.constant 0 : index
    %swap3A_5 = vector.load %arg3[%swap3A, %swap3A_3, %swap3A_4] : memref<1x2304x256xf32, #tpu.memory_space<vmem>>, vector<1x2304x256xf32>
    tpu.vector_store %arg3[%swap3A, %swap3A_3, %swap3A_4], %get3A_2 {strides = array<i32>} : memref<1x2304x256xf32, #tpu.memory_space<vmem>>, vector<1x2304x256xf32>,
    return
  }
  func.func @transform_1(%arg0: i32) -> (i32, i32, i32) {
    %c0_i32 = arith.constant 0 : i32
    %c0_i32_0 = arith.constant 0 : i32
    %c0_i32_1 = arith.constant 0 : i32
    return %arg0, %c0_i32, %c0_i32_0 : i32, i32, i32
  }
  func.func @transform_2(%arg0: i32) -> (i32, i32, i32) {
    %c0_i32 = arith.constant 0 : i32
    %c0_i32_0 = arith.constant 0 : i32
    %c0_i32_1 = arith.constant 0 : i32
    return %arg0, %c0_i32, %c0_i32_0 : i32, i32, i32
  }
}

</mosaic_0001>

<sc_bundles>
// kernel: kernel.5.cloned.1.call-start
scs
__scs_entry_jumppad:
0x0: {  	(pc) =	sbr.rel $0x88, $3  }
0x1: {  	(tag) =	ssettag $0x0;
	lr =	simm.s32 $0x1  }
0x2: {  	[smem:$0x3F9F] =	sst lr;
	_ =	strace $0xD0000000  }
0x3: {  	_ = 	snop  }
0x4: {  	_ = 	snop  }
0x5: {  	_ = 	snop  }
0x6: {  	_ = 	snop  }
0x7: {  	_ = 	snop  }
__scs_overlays_trampoline_lowered:
0x8: {  	[smem:$0x3FAE] =	sst s0  }
0x9: {  	[smem:$0x3FAF] =	sst s1  }
0xa: {  	[smem:$0x3FB0] =	sst s2  }
0xb: {  	[smem:$0x3FB1] =	sst s3  }
0xc: {  	[smem:$0x3FB2] =	sst s4  }
0xd: {  	[smem:$0x3FB3] =	sst s5  }
0xe: {  	[smem:$0x3FB4] =	sst s6  }
0xf: {  	[smem:$0x3FB5] =	sst s7  }
0x10: {  	[smem:$0x3FB6] =	sst s8  }
0x11: {  	[smem:$0x3FB7] =	sst s9;
	s0 =	simm.s32 @!p0 $0x0  }
0x12: {  	s1 =	sld [smem:$0x3F9D];
	s0 =	simm.s32 @p0 $0x1  }
0x13: {  	[smem:$0x3FB8] =	sst s0;
	s0 =	simm.s32 @!p1 $0x0  }
0x14: {  	s2 =	sld [smem:$0x3F9C];
	s0 =	simm.s32 @p1 $0x1  }
0x15: {  	[smem:$0x3FB9] =	sst s0;
	s0 =	simm.s32 @!p2 $0x0  }
0x16: {  	s3 =	sld [smem:$0x3FDB];
	s0 =	simm.s32 @p2 $0x1  }
0x17: {  	s4 =	simm.s32 $0x1BF5;
	[smem:$0x3FBB] =	sst s0  }
0x18: {  	s0 =	sld [smem:$0x3F9E];
	_ =	swait.ge [sflag:s4], $0x0  }
0x19: {  	s7 =	sld [smem:$0x3F9F]  }
0x1a: {  	s8 =	sadd.s32 $0xFFFFE003, lr  }
0x1b: {  	s9 =	sadd.s32 $0xFFFFFEF7, lr;
	s5 =	simm.s32 $0xFFFFFFFF;
	p2 =	slt.u32 s8, $0xFFFFF086  }
0x1c: {  	p1 =	slt.u32 s9, $0xF7A;
	s5 =	simm.s32 @!p2 $0x0  }
0x1d: {  	s5 =	simm.s32 @p1 $0x1;
	p0 =	seq.s32 s7, s2  }
0x1e: {  	s7 =	smul.u32 @!p0 $0xF7A, s2;
	p2 =	seq.s32 @!p0 s5, $0x0  }
0x1f: {  	s9 =	smul.u32 $0xF7A, s1;
	s8 =	simm.s32 @!p0 $0x1BF5;
	p2 =	por !p2, p0  }
0x20: {  	[sflag:s8] =	ssyncset.s32 @!p0 $0xFFFFF086;
	s6 =	sadd.s32 @!p0 s3, s7;
	s7 =	simm.s32 @!p0 $0x108  }
0x21: {  	s3 =	sadd.s32 s3, s9;
	s6 =	sadd.s32 @!p0 $0x88, s6;
	s7 =	simm.s32 @p2 $0x1082  }
0x22: {  	[simem:s7], [sflag:s8] =	dma.local @!p0 [hbm:s6], $0xF7A  }
0x23: {  	s9 =	sor.u32 $0xD0000000, s2;
	s6 =	simm.s32 $0x108;
	_ =	swait.ge @!p0 [sflag:s8], $0x0  }
0x24: {  	s3 =	sadd.s32 $0x88, s3;
	s6 =	simm.s32 @!p1 $0x1082;
	[sflag:s4] =	ssyncset.s32 $0xFFFFF086  }
0x25: {  	[simem:s6], [sflag:s4] =	dma.local [hbm:s3], $0xF7A  }
0x26: {  	[smem:$0x3F9F] =	sst s1;
	(tag) =	ssettag s2;
	_ =	strace s9  }
0x27: {  	s1 =	sld [smem:$0x3FAF]  }
0x28: {  	s2 =	sld [smem:$0x3FB0]  }
0x29: {  	s4 =	sld [smem:$0x3FB2]  }
0x2a: {  	p0 =	seq.s32 s5, $0x0;
	s5 =	sld [smem:$0x3FB3]  }
0x2b: {  	s6 =	sld [smem:$0x3FB4]  }
0x2c: {  	s7 =	sld [smem:$0x3FB5]  }
0x2d: {  	s3 =	simm.s32 $0x108;
	s8 =	sld [smem:$0x3FB6]  }
0x2e: {  	s3 =	simm.s32 @!p0 $0x1082;
	s9 =	sld [smem:$0x3FB7]  }
0x2f: {  	lr =	sadd.s32 s0, s3;
	s0 =	sld [smem:$0x3FAE]  }
0x30: {  	s3 =	sld [smem:$0x3FB1]  }
0x31: {  	[smem:$0x3FBA] =	sst s10  }
0x32: {  	s10 =	sld [smem:$0x3FB8];
	_ =	sdelay $0x3  }
0x33: {  	p0 =	seq.s32 s10, $0x1;
	s10 =	sld [smem:$0x3FBA];
	_ =	sdelay $0x3  }
0x34: {  	[smem:$0x3FBA] =	sst s10  }
0x35: {  	s10 =	sld [smem:$0x3FB9];
	_ =	sdelay $0x3  }
0x36: {  	p1 =	seq.s32 s10, $0x1;
	s10 =	sld [smem:$0x3FBA];
	_ =	sdelay $0x3  }
0x37: {  	[smem:$0x3FBA] =	sst s10  }
0x38: {  	s10 =	sld [smem:$0x3FBB]  }
0x39: {  	_ = 	snop;
	(pc) =	sbr.ind lr, $3  }
0x3a: {  	_ = 	snop  }
0x3b: {  	_ = 	snop  }
0x3c: {  	p2 =	seq.s32 s10, $0x1;
	s10 =	sld [smem:$0x3FBA]  }
0x3d: {  	_ =	shalt  }
0x3e: {  	_ =	shalt  }
0x3f: {  	_ =	shalt  }
0x40: {  	_ =	shalt  }
0x41: {  	_ =	shalt  }
0x42: {  	_ =	shalt  }
0x43: {  	_ =	shalt  }
0x44: {  	_ =	shalt  }
0x45: {  	_ =	shalt  }
0x46: {  	_ =	shalt  }
0x47: {  	_ =	shalt  }
0x48: {  	_ =	shalt  }
0x49: {  	_ =	shalt  }
0x4a: {  	_ =	shalt  }
0x4b: {  	_ =	shalt  }
0x4c: {  	_ =	shalt  }
0x4d: {  	_ =	shalt  }
0x4e: {  	_ =	shalt  }
0x4f: {  	_ =	shalt  }
0x50: {  	_ =	shalt  }
0x51: {  	_ =	shalt  }
0x52: {  	_ =	shalt  }
0x53: {  	_ =	shalt  }
0x54: {  	_ =	shalt  }
0x55: {  	_ =	shalt  }
0x56: {  	_ =	shalt  }
0x57: {  	_ =	shalt  }
0x58: {  	_ =	shalt  }
0x59: {  	_ =	shalt  }
0x5a: {  	_ =	shalt  }
0x5b: {  	_ =	shalt  }
0x5c: {  	_ =	shalt  }
0x5d: {  	_ =	shalt  }
0x5e: {  	_ =	shalt  }
0x5f: {  	_ =	shalt  }
0x60: {  	_ =	shalt  }
0x61: {  	_ =	shalt  }
0x62: {  	_ =	shalt  }
0x63: {  	_ =	shalt  }
0x64: {  	_ =	shalt  }
0x65: {  	_ =	shalt  }
0x66: {  	_ =	shalt  }
0x67: {  	_ =	shalt  }
0x68: {  	_ =	shalt  }
0x69: {  	_ =	shalt  }
0x6a: {  	_ =	shalt  }
0x6b: {  	_ =	shalt  }
0x6c: {  	_ =	shalt  }
0x6d: {  	_ =	shalt  }
0x6e: {  	_ =	shalt  }
0x6f: {  	_ =	shalt  }
0x70: {  	_ =	shalt  }
0x71: {  	_ =	shalt  }
0x72: {  	_ =	shalt  }
0x73: {  	_ =	shalt  }
0x74: {  	_ =	shalt  }
0x75: {  	_ =	shalt  }
0x76: {  	_ =	shalt  }
0x77: {  	_ =	shalt  }
0x78: {  	_ =	shalt  }
0x79: {  	_ =	shalt  }
0x7a: {  	_ =	shalt  }
0x7b: {  	_ =	shalt  }
0x7c: {  	_ =	shalt  }
0x7d: {  	_ =	shalt  }
0x7e: {  	_ =	shalt  }
0x7f: {  	_ =	shalt  }
0x80: {  	_ =	shalt  }
0x81: {  	_ =	shalt  }
0x82: {  	_ =	shalt  }
0x83: {  	_ =	shalt  }
0x84: {  	_ =	shalt  }
0x85: {  	_ =	shalt  }
0x86: {  	_ =	shalt  }
0x87: {  	_ =	shalt  }
.Lfunc_end0:
.L_simem_size_0:
called_computation_lowered:
.L_overlay_start_0:
0x88: {  	s2 =	sld [smem:$0x3FD9]  }
0x89: {  	s3 =	sld [smem:$0x3FFE];
	_ =	sdelay $0x1  }
0x8a: {  	s1 =	srdreg.scid  }
0x8b: {  	s0 =	sand.u32 $0x1, s1  }
0x8c: {  	s17 =	sshll.u32 s0, $0xA;
	s2 =	sadd.s32 s3, s2  }
0x8d: {  	s2 =	sadd.s32 s2, s17  }
0x8e: {  	[smem:$0x3FC6] =	sst s2  }
0x8f: {  	_ = 	snop  }
0x90: {  	s2 =	sld [smem:$0x3FC9]  }
0x91: {  	s18 =	sld [smem:$0x3FC8];
	(tm) =	ssettm $0x1  }
0x92: {  	s4 =	sld [smem:$0x3FFB];
	_ =	sdelay $0x3  }
0x93: {  	_ =	strace s4  }
0x94: {  	s4 =	sld [smem:$0x3FFC];
	_ =	sdelay $0x3  }
0x95: {  	_ =	strace s4  }
0x96: {  	s4 =	sld [smem:$0x3FFD];
	_ =	sdelay $0x3  }
0x97: {  	_ =	strace s4  }
0x98: {  	_ =	strace $0x8FFFFFFF  }
0x99: {  	s19 =	sld [smem:$0x3FDB];
	_ =	sdelay $0x1  }
0x9a: {  	s5 =	simm.s32 $_scs_section_size  }
0x9b: {  	s6 =	simm.s32 $_size__tile_overlayer_lowered;
	s7 =	simm.s32 $_tile_overlayer_lowered  }
0x9c: {  	s22 =	simm.s32 $0x1BFF;
	s21 =	sshll.u32 s7, $0x1;
	s4 =	sadd.s32 s5, s19  }
0x9d: {  	s8 =	simm.s32 $0x0;
	s20 =	sshll.u32 s6, $0x1;
	s6 =	sadd.s32 s21, s4  }
0x9e: {  	[timem:s8], [sflag:s22] =	dma.local [hbm:s6], s20  }
0x9f: {  	_ =	swait.ge [sflag:s22], s20  }
0xa0: {  	s5 =	ssub.s32 $0x0, s20;
	[sflag:s22] =	ssyncset.done $0x0  }
0xa1: {  	[sflag:s22] =	ssyncadd.s32 s5;
	_ =	sdelay $0x1  }
0xa2: {  	s23 =	simm.s32 $0x1B8B  }
0xa3: {  	_ =	swait.ge [sflag:s23], $0x1  }
0xa4: {  	[sflag:s23] =	ssyncset.done $0x0  }
0xa5: {  	s25 =	simm.s32 $0x1B8E;
	s24 =	sld [smem:$0x3FFE];
	[sflag:s23] =	ssyncadd.s32 $0xFFFFFFFF  }
0xa6: {  	s26 =	simm.s32 $execute0_lowered;
	[smem:$0x3FD2] =	sst s25  }
0xa7: {  	s6 =	sshll.u32 s26, $0x1;
	_ =	strace $0x80000046;
	[dreg:$0x1] =	wrdreg $0xFFFFFFFF  }
0xa8: {  	s28 =	simm.s32 $_size_execute0_lowered;
	s4 =	sadd.s32 s4, s6;
	[dreg:$0x0] =	wrdreg $0x0  }
0xa9: {  	s6 =	sshll.u32 s28, $0x1;
	[dreg:$0x2] =	wrdreg s4  }
0xaa: {  	[dreg:$0x3] =	wrdreg s6  }
0xab: {  	[dreg:$0x4] =	wrdreg $0xC0  }
0xac: {  	_ =	task [dreg:s8], $0x5FFFF  }
0xad: {  	[dreg:$0x1] =	wrdreg $0xFFFFFFFF  }
0xae: {  	[dreg:$0x0] =	wrdreg $0x60  }
0xaf: {  	[dreg:$0x2] =	wrdreg s2  }
0xb0: {  	[dreg:$0x3] =	wrdreg s18  }
0xb1: {  	[dreg:$0x4] =	wrdreg s24  }
0xb2: {  	[dreg:$0x5] =	wrdreg $0x9  }
0xb3: {  	_ =	task.clear_ibuf [dreg:s8], $0x6FFFF;
	_ =	strace $0x90000046  }
0xb4: {  	s29 =	simm.s32 $0x9;
	_ =	strace $0x80000048  }
0xb5: {  	_ =	swait.ge [sflag:s29], $0x1  }
0xb6: {  	[sflag:s29] =	ssyncadd.s32 $0xFFFFFFFF  }
0xb7: {  	_ =	strace $0x90000048  }
0xb8: {  	_ =	sfence  }
0xb9: {  	s30 =	sld [smem:$0x0];
	_ =	sdelay $0x2  }
0xba: {  	s31 =	sshll.u32 s1, $0xD;
	s1 =	sshrl.u32 s1, $0x2  }
0xbb: {  	s3 =	sand.u32 $0x4000, s31;
	s1 =	sadd.s32 s1, s30  }
0xbc: {  	s0 =	sor.u32 s3, s0;
	s1 =	sshll.u32 s1, $0x11  }
0xbd: {  	s0 =	sor.u32 s1, s0  }
0xbe: {  	s0 =	sadd.s32 $0x8F2B, s0  }
0xbf: {  	[sflag:s0] =	ssyncadd.remote.s32 $0x1  }
0xc0: {  	_ =	sfence.sel $0xFFFF  }
0xc1: {  	[dreg:$0x0] =	wrdreg $0xFFFFFFFF;
	(pc) =	sbr.abs _section_cstart, $3  }
0xc2: {  	[dreg:$0x1] =	wrdreg $0xFFFFFFFF  }
0xc3: {  	_ =	task.clear_ibuf [dreg:s8], $0x2FFFF;
	_ =	strace $0x9FFFFFFF  }
0xc4: {  	(tm) =	ssettm $0x7FFFFFFF  }
0xc5: {  	_ =	shalt  }
tec
execute0_lowered:
.L_overlay_start_1:
0x0: {  	(tag) =	ssettag $0x1  }
0x1: {  	s5 =	rddreg [dreg:$0x0]  }
0x2: {  	s4 =	rddreg [dreg:$0x1];
	s1 =	srdreg.scid  }
0x3: {  	s0 =	stileid.u32;
	s3 =	rddreg [dreg:$0x2];
	s2 =	simm.s32 $0x0  }
0x4: {  	s10 =	simm.s32 $0x5;
	s11 =	simm.s32 $0x9000;
	s12 =	simm.s32 $0x1  }
0x5: {  	s13 =	simm.s32 $0x2;
	s6 =	sand.u32 $0x1, s1;
	s7 =	sshll.u32 s0, $0x1  }
0x6: {  	s14 =	simm.s32 $0x3;
	s15 =	simm.s32 $0x4;
	s7 =	sor.u32 s6, s7  }
0x7: {  	s1 =	rddreg [dreg:$0x3];
	s6 =	ssub.s32 $0x2, s6;
	s7 =	smul.u32 $0x4800, s7  }
0x8: {  	s16 =	simm.s32 $0x0;
	[smem:$0x7FF] =	sst s2;
	s8 =	sshrl.u32 s6, $0x1  }
0x9: {  	s9 =	sadd.s32 $0x800, s3;
	s8 =	ssub.s32 s6, s8;
	s31 =	sshrl.u32 s7, $0x3  }
0xa: {  	_ =	strace $0x80000047;
	s8 =	smax.u32 s8, $0x1;
	s3 =	sadd.s32 s5, s31  }
0xb: {  	s4 =	sadd.s32 s4, s31;
	s7 =	sadd.s32 $0x12000, s31;
	s6 =	sadd.s32 s9, s31  }
0xc: {  	s5 =	sadd.s32 s5, s7;
	s7 =	sadd.s32 s9, s7;
	s9 =	simm.s32 $0x4800  }
.LBB2_1:
0xd: {  	[tilespmem:s9], [sflag:$0x1] =	stream.linear.gather [hbm4b:s3+s2], $0x4800, $0x38;
	[tilespmem:$0xD800] =	vst v63  }
0xe: {  	_ = 	snop  }
0xf: {  	[tilespmem:s2], [sflag:$0x5] =	stream.linear.gather [hbm4b:s4+s2], $0x4800, $0x38;
	[tilespmem:$0xD800] =	vst v63  }
0x10: {  	_ =	swait.ge [sflag:s10], $0x4800  }
0x11: {  	[sflag:s10] =	ssyncset.done $0x0  }
0x12: {  	s17 =	simm.s32 $0x0;
	s18 =	sand.u32 $0x400, s2;
	[sflag:s10] =	ssyncadd.s32 $0xFFFFB800  }
0x13: {  	[tilespmem:s11], [sflag:$0x2] =	stream.linear.gather [hbm4b:s5+s2], $0x4800, $0x38;
	[tilespmem:$0xD800] =	vst v63  }
0x14: {  	s19 =	simm.s32 $0x0;
	s17 =	sand.u32 $0x7800, s17;
	_ =	swait.ge [sflag:s12], $0x4800  }
0x15: {  	s31 =	sand.u32 $0x380, s19;
	s17 =	sor.u32 s18, s17;
	[sflag:s12] =	ssyncset.done $0x0  }
0x16: {  	s17 =	sor.u32 s31, s17;
	[sflag:s12] =	ssyncadd.s32 $0xFFFFB800  }
0x17: {  	v0 =	vld [tilespmem:s17+$0x70]  }
0x18: {  	v5 =	vld [tilespmem:s17+$0x0]  }
0x19: {  	v6 =	vld [tilespmem:s17+$0x10]  }
0x1a: {  	v4 =	vld [tilespmem:s17+$0x20]  }
0x1b: {  	v3 =	vld [tilespmem:s17+$0x30]  }
0x1c: {  	v2 =	vld [tilespmem:s17+$0x40]  }
0x1d: {  	v1 =	vld [tilespmem:s17+$0x60]  }
0x1e: {  	[tilespmem:s17+$0x4870] =	vst.add.f32.msk $0xffff, v0  }
0x1f: {  	v0 =	vld [tilespmem:s17+$0x50]  }
0x20: {  	[tilespmem:s17+$0x4800] =	vst.add.f32.msk $0xffff, v5  }
0x21: {  	s19 =	simm.s32 $0x0;
	s18 =	simm.s32 $0x0;
	[tilespmem:s17+$0x4810] =	vst.add.f32.msk $0xffff, v6  }
.LBB2_2:
0x22: {  	s18 =	sadd.s32 $0x8, s18;
	[tilespmem:s17+$0x4820] =	vst.add.f32.msk $0xffff, v4  }
0x23: {  	s19 =	sadd.s32 $0x400, s19;
	s20 =	sshll.u32 s18, $0x4;
	p0 =	slt.u32 s18, $0x478;
	[tilespmem:s17+$0x4830] =	vst.add.f32.msk $0xffff, v3  }
0x24: {  	s21 =	sand.u32 $0x400, s19;
	s22 =	sshll.u32 s18, $0x3;
	s20 =	sand.u32 $0x7800, s20;
	[tilespmem:s17+$0x4840] =	vst.add.f32.msk $0xffff, v2  }
0x25: {  	s20 =	sor.u32 s21, s20;
	s21 =	sand.u32 $0x380, s22;
	[tilespmem:s17+$0x4850] =	vst.add.f32.msk $0xffff, v0  }
0x26: {  	[tilespmem:s17+$0x4860] =	vst.add.f32.msk $0xffff, v1;
	s17 =	sor.u32 s21, s20  }
0x27: {  	v0 =	vld [tilespmem:s17+$0x70]  }
0x28: {  	v5 =	vld [tilespmem:s17+$0x0]  }
0x29: {  	v6 =	vld [tilespmem:s17+$0x10]  }
0x2a: {  	v4 =	vld [tilespmem:s17+$0x20]  }
0x2b: {  	v3 =	vld [tilespmem:s17+$0x30]  }
0x2c: {  	[tilespmem:s17+$0x4870] =	vst.add.f32.msk $0xffff, v0  }
.Ltmp0:
0x2d: {  	v2 =	vld [tilespmem:s17+$0x40];
	(pc) =	sbr.rel @p0 .LBB2_2-.Ltmp0, $4  }
0x2e: {  	v0 =	vld [tilespmem:s17+$0x50]  }
0x2f: {  	v1 =	vld [tilespmem:s17+$0x60]  }
0x30: {  	[tilespmem:s17+$0x4800] =	vst.add.f32.msk $0xffff, v5  }
0x31: {  	[tilespmem:s17+$0x4810] =	vst.add.f32.msk $0xffff, v6  }
0x32: {  	[tilespmem:s17+$0x4820] =	vst.add.f32.msk $0xffff, v4  }
0x33: {  	[tilespmem:s17+$0x4830] =	vst.add.f32.msk $0xffff, v3  }
0x34: {  	[tilespmem:s17+$0x4840] =	vst.add.f32.msk $0xffff, v2  }
0x35: {  	[tilespmem:s17+$0x4850] =	vst.add.f32.msk $0xffff, v0  }
0x36: {  	s18 =	simm.s32 $0x0;
	s20 =	simm.s32 $0x0;
	[tilespmem:s17+$0x4860] =	vst.add.f32.msk $0xffff, v1;
	s17 =	simm.s32 $0x0  }
0x37: {  	[hbm4b:s6+s17] =	stream.linear.scatter [tilespmem:s9], [sflag:$0x3], $0x4800, $0x38;
	[tilespmem:$0xD800] =	vst v63  }
0x38: {  	s18 =	sand.u32 $0x7800, s18;
	s19 =	sand.u32 $0x400, s17;
	_ =	swait.ge [sflag:s13], $0x4800  }
0x39: {  	s31 =	sand.u32 $0x380, s20;
	s18 =	sor.u32 s19, s18;
	[sflag:s13] =	ssyncset.done $0x0  }
0x3a: {  	s18 =	sor.u32 s31, s18;
	[sflag:s13] =	ssyncadd.s32 $0xFFFFB800  }
0x3b: {  	v0 =	vld [tilespmem:s18+$0x70]  }
0x3c: {  	v5 =	vld [tilespmem:s18+$0x0]  }
0x3d: {  	v6 =	vld [tilespmem:s18+$0x10]  }
0x3e: {  	v4 =	vld [tilespmem:s18+$0x20]  }
0x3f: {  	v3 =	vld [tilespmem:s18+$0x30]  }
0x40: {  	v2 =	vld [tilespmem:s18+$0x40]  }
0x41: {  	v1 =	vld [tilespmem:s18+$0x60]  }
0x42: {  	[tilespmem:s18+$0x9070] =	vst.add.f32.msk $0xffff, v0  }
0x43: {  	v0 =	vld [tilespmem:s18+$0x50]  }
0x44: {  	[tilespmem:s18+$0x9000] =	vst.add.f32.msk $0xffff, v5  }
0x45: {  	s19 =	simm.s32 $0x0;
	[tilespmem:s18+$0x9010] =	vst.add.f32.msk $0xffff, v6  }
.LBB2_4:
0x46: {  	s19 =	sadd.s32 $0x8, s19;
	[tilespmem:s18+$0x9020] =	vst.add.f32.msk $0xffff, v4  }
0x47: {  	s17 =	sadd.s32 $0x400, s17;
	s20 =	sshll.u32 s19, $0x4;
	p0 =	slt.u32 s19, $0x478;
	[tilespmem:s18+$0x9030] =	vst.add.f32.msk $0xffff, v3  }
0x48: {  	s21 =	sand.u32 $0x400, s17;
	s22 =	sshll.u32 s19, $0x3;
	s20 =	sand.u32 $0x7800, s20;
	[tilespmem:s18+$0x9040] =	vst.add.f32.msk $0xffff, v2  }
0x49: {  	s20 =	sor.u32 s21, s20;
	s21 =	sand.u32 $0x380, s22;
	[tilespmem:s18+$0x9050] =	vst.add.f32.msk $0xffff, v0  }
0x4a: {  	[tilespmem:s18+$0x9060] =	vst.add.f32.msk $0xffff, v1;
	s18 =	sor.u32 s21, s20  }
0x4b: {  	v0 =	vld [tilespmem:s18+$0x70]  }
0x4c: {  	v5 =	vld [tilespmem:s18+$0x0]  }
0x4d: {  	v6 =	vld [tilespmem:s18+$0x10]  }
0x4e: {  	v4 =	vld [tilespmem:s18+$0x20]  }
0x4f: {  	v3 =	vld [tilespmem:s18+$0x30]  }
0x50: {  	[tilespmem:s18+$0x9070] =	vst.add.f32.msk $0xffff, v0  }
.Ltmp1:
0x51: {  	v2 =	vld [tilespmem:s18+$0x40];
	(pc) =	sbr.rel @p0 .LBB2_4-.Ltmp1, $4  }
0x52: {  	v0 =	vld [tilespmem:s18+$0x50]  }
0x53: {  	v1 =	vld [tilespmem:s18+$0x60]  }
0x54: {  	[tilespmem:s18+$0x9000] =	vst.add.f32.msk $0xffff, v5  }
0x55: {  	[tilespmem:s18+$0x9010] =	vst.add.f32.msk $0xffff, v6  }
0x56: {  	[tilespmem:s18+$0x9020] =	vst.add.f32.msk $0xffff, v4  }
0x57: {  	[tilespmem:s18+$0x9030] =	vst.add.f32.msk $0xffff, v3  }
0x58: {  	[tilespmem:s18+$0x9040] =	vst.add.f32.msk $0xffff, v2  }
0x59: {  	[tilespmem:s18+$0x9050] =	vst.add.f32.msk $0xffff, v0  }
0x5a: {  	s16 =	sadd.s32 $0x1, s16;
	[tilespmem:s18+$0x9060] =	vst.add.f32.msk $0xffff, v1  }
0x5b: {  	[hbm4b:s7+s2] =	stream.linear.scatter [tilespmem:s11], [sflag:$0x4], $0x4800, $0x38;
	[tilespmem:$0xD800] =	vst v63  }
0x5c: {  	p0 =	sne.s32 s16, s8;
	_ =	swait.ge [sflag:s14], $0x4800  }
.Ltmp2:
0x5d: {  	[sflag:s14] =	ssyncset.done $0x0;
	(pc) =	sbr.rel @p0 .LBB2_1-.Ltmp2, $4  }
0x5e: {  	[sflag:s14] =	ssyncadd.s32 $0xFFFFB800  }
0x5f: {  	_ =	swait.ge [sflag:s15], $0x4800  }
0x60: {  	[sflag:s15] =	ssyncset.done $0x0  }
0x61: {  	[sflag:s15] =	ssyncadd.s32 $0xFFFFB800  }
0x62: {  	_ =	sfence.sel $0x180000  }
0x63: {  	[bflag:$0x0] =	sbarrier.arrive $0xFFFF  }
0x64: {  	p0 =	sne.s32 s0, $0x0;
	_ =	strace $0x90000047  }
0x65: {  	s0 =	sadd.s32 @!p0 $0x100000, s1;
	[bflag:$0x2] =	sbarrier.arrive $0xFFFF  }
0x66: {  	[sflag:s0] =	ssyncadd.tile.s32 @!p0 $0x1;
	_ =	shalt  }
.Lfunc_end2:
_tile_overlayer_lowered:
.L_overlay_start_2:
0x67: {  	(tag) =	ssettag $0x2  }
0x68: {  	s0 =	rddreg [dreg:$0x0];
	s2 =	stileid.u32  }
0x69: {  	s1 =	rddreg [dreg:$0x1];
	p0 =	sne.s32 s2, $0x0  }
0x6a: {  	s3 =	rddreg [dreg:$0x2];
	[bflag:$0x3] =	sbarrier.arrive $0xFFFF;
	s2 =	simm.s32 @!p0 $0x1C05  }
0x6b: {  	[timem:s3], [sflag:s2] =	dma.local @!p0 [hbm:s0], s1  }
0x6c: {  	s0 =	simm.s32 @!p0 $0x5  }
0x6d: {  	_ =	swait.ge @!p0 [sflag:s0], s1  }
0x6e: {  	s1 =	ssub.s32 @!p0 $0x0, s1;
	[sflag:s0] =	ssyncset.done @!p0 $0x0  }
0x6f: {  	[sflag:s0] =	ssyncadd.s32 @!p0 s1  }
0x70: {  	[bflag:$0x3] =	sbarrier.arrive $0xFFFF  }
0x71: {  	_ =	shalt  }

</sc_bundles>
